<compile_context>
chip_gen: v7x
topology: tpu7x:2x2x1
jax: 0.10.2.dev20260603
libtpu: 0.0.44.dev20260713+nightly
codegen_flags: <defaults>
</compile_context>

<pallas_src>
import jax
import jax.numpy as jnp
from jax.experimental import pallas as pl


def _tc_body(notes_ref, on_ref, du_ref, nt_ref, dw16_ref, von_ref, vdur_ref,
             fb_ref, pa_ref, g_ref, b_ref, out_ref):
    blk = out_ref.shape[0]
    nb = notes_ref[0]
    si = jax.lax.broadcasted_iota(jnp.int32, (96, blk), 0)
    ohT = (si == nb).astype(jnp.float32)
    ft = jnp.dot(nt_ref[:], dw16_ref[:], preferred_element_type=jnp.float32)
    A = jnp.concatenate([ohT, on_ref[0], du_ref[0]], axis=0)
    W = jnp.concatenate([ft, von_ref[:], vdur_ref[:]], axis=0)
    y = jax.lax.dot_general(A, W, (((0,), (0,)), ((), ())),
                            preferred_element_type=jnp.float32)
    y = y + fb_ref[:]
    pa = pa_ref[0, 0]
    y = jnp.where(y > 0, y, pa * y)
    mean = jnp.mean(y, axis=-1, keepdims=True)
    var = jnp.mean(y * y, axis=-1, keepdims=True) - mean * mean
    rstd = jax.lax.rsqrt(var + 1e-5)
    out_ref[:] = (y - mean) * (rstd * g_ref[:]) + b_ref[:]


def kernel(notes, onsets, durations, x_lengths, note_table, onset_W, onset_b,
           dur_W, dur_b, dense_W, dense_b, prelu_a, ln_gamma, ln_beta):
    B, L, _ = notes.shape
    T = B * L
    BLK = 2048
    grid = T // BLK

    notes3 = notes.reshape(grid, 1, BLK)
    on3 = onsets.reshape(grid, 1, BLK)
    du3 = durations.reshape(grid, 1, BLK)
    nt_pad = jnp.zeros((96, 16), dtype=jnp.float32).at[:91].set(note_table)
    dw16 = dense_W[0:16]
    von = (onset_W @ dense_W[16:24]).reshape(1, 64)
    vdur = (dur_W @ dense_W[24:28]).reshape(1, 64)
    fb = (onset_b @ dense_W[16:24] + dur_b @ dense_W[24:28]
          + dense_b).reshape(1, 64)
    pa = jnp.asarray(prelu_a, jnp.float32).reshape(1, 1)
    g = ln_gamma.reshape(1, 64)
    bta = ln_beta.reshape(1, 64)

    tok3 = lambda i: (i, 0, 0)
    tok = lambda i: (i, 0)
    const = lambda i: (0, 0)
    out = pl.pallas_call(
        _tc_body,
        grid=(grid,),
        in_specs=[
            pl.BlockSpec((1, 1, BLK), tok3),
            pl.BlockSpec((1, 1, BLK), tok3),
            pl.BlockSpec((1, 1, BLK), tok3),
            pl.BlockSpec((96, 16), const),
            pl.BlockSpec((16, 64), const),
            pl.BlockSpec((1, 64), const),
            pl.BlockSpec((1, 64), const),
            pl.BlockSpec((1, 64), const),
            pl.BlockSpec((1, 1), const),
            pl.BlockSpec((1, 64), const),
            pl.BlockSpec((1, 64), const),
        ],
        out_specs=pl.BlockSpec((BLK, 64), tok),
        out_shape=jax.ShapeDtypeStruct((T, 64), jnp.float32),
    )(notes3, on3, du3, nt_pad, dw16, von, vdur, fb, pa, g, bta)
    return out.reshape(B, L, 64)

# --- scband reference (transcript-rebuilt; emitter-appended) ---
"""Pipeline reference for scband-embedding-vicent-82592221102361 (READ-ONLY COPY).

The authoritative reference and input builder live on the scoring server;
editing this copy changes nothing except your own understanding.
"""

import jax, jax.numpy as jnp
import numpy as np


def setup_inputs(seed: int = 0) -> dict:
    key = jax.random.key(seed)
    ks = jax.random.split(key, 12)
    B, L = 4096, 200
    notes = jax.random.randint(ks[0], (B, L, 1), 0, 91, dtype=jnp.int32)
    onsets = jax.random.normal(ks[1], (B, L, 1), dtype=jnp.float32)
    durations = jax.random.normal(ks[2], (B, L, 1), dtype=jnp.float32)
    x_lengths = jax.random.randint(ks[3], (B,), 1, 200, dtype=jnp.int32)
    note_table = jax.random.normal(ks[4], (91, 16), dtype=jnp.float32) * 0.05
    onset_W = jax.random.normal(ks[5], (1, 8), dtype=jnp.float32) * 0.5
    onset_b = jnp.zeros((8,), dtype=jnp.float32)
    dur_W = jax.random.normal(ks[6], (1, 4), dtype=jnp.float32) * 0.5
    dur_b = jnp.zeros((4,), dtype=jnp.float32)
    dense_W = jax.random.normal(ks[7], (28, 64), dtype=jnp.float32) * 0.1
    dense_b = jnp.zeros((64,), dtype=jnp.float32)
    prelu_a = jnp.array(0.25, dtype=jnp.float32)
    ln_gamma = jnp.ones((64,), dtype=jnp.float32)
    ln_beta = jnp.zeros((64,), dtype=jnp.float32)
    return {
        'notes': notes, 'onsets': onsets, 'durations': durations, 'x_lengths': x_lengths,
        'note_table': note_table, 'onset_W': onset_W, 'onset_b': onset_b,
        'dur_W': dur_W, 'dur_b': dur_b, 'dense_W': dense_W, 'dense_b': dense_b,
        'prelu_a': prelu_a, 'ln_gamma': ln_gamma, 'ln_beta': ln_beta,
    }


def reference(notes, onsets, durations, x_lengths, note_table, onset_W, onset_b,
              dur_W, dur_b, dense_W, dense_b, prelu_a, ln_gamma, ln_beta):
    # embedding lookup: [B, L, 1] -> [B, L, 1, 16] -> squeeze dim 2 -> [B, L, 16]
    note_emb = jnp.squeeze(jnp.take(note_table, notes, axis=0), axis=2)
    onset_emb = onsets @ onset_W + onset_b      # [B, L, 8]
    dur_emb = durations @ dur_W + dur_b          # [B, L, 4]
    x = jnp.concatenate([note_emb, onset_emb, dur_emb], axis=2)  # [B, L, 28]
    x = x @ dense_W + dense_b                    # [B, L, 64]
    # PReLU with single shared parameter (torch default)
    x = jnp.where(x > 0, x, prelu_a * x)
    # LayerNorm over last dim, eps=1e-5 (torch default)
    mean = jnp.mean(x, axis=-1, keepdims=True)
    var = jnp.var(x, axis=-1, keepdims=True)
    x = (x - mean) / jnp.sqrt(var + 1e-5) * ln_gamma + ln_beta
    return x

if __name__ == "__main__":
    import jax
    _d = setup_inputs()
    print(jax.jit(kernel)(*tuple(_d.values())))

</pallas_src>

<mosaic_0001>
module attributes {stable_mosaic.version = 14 : i64} {
  func.func @_tc_body(%arg0: i32, %arg1: memref<1x1x2048xi32, #tpu.memory_space<vmem>>, %arg2: memref<1x1x2048xf32, #tpu.memory_space<vmem>>, %arg3: memref<1x1x2048xf32, #tpu.memory_space<vmem>>, %arg4: memref<96x16xf32, #tpu.memory_space<vmem>>, %arg5: memref<16x64xf32, #tpu.memory_space<vmem>>, %arg6: memref<1x64xf32, #tpu.memory_space<vmem>>, %arg7: memref<1x64xf32, #tpu.memory_space<vmem>>, %arg8: memref<1x64xf32, #tpu.memory_space<vmem>>, %arg9: memref<1x1xf32, #tpu.memory_space<vmem>>, %arg10: memref<1x64xf32, #tpu.memory_space<vmem>>, %arg11: memref<1x64xf32, #tpu.memory_space<vmem>>, %arg12: memref<2048x64xf32, #tpu.memory_space<vmem>>) attributes {dimension_semantics = [#tpu.dimension_semantics<arbitrary>], iteration_bounds = array<i64: 400>, scalar_prefetch = 0 : i64, scratch_operands = 0 : i64, tpu.core_type = #tpu.core_type<tc>, window_params = [{transform_indices = @transform_0, window_bounds = array<i64: 1, 1, 2048>}, {transform_indices = @transform_1, window_bounds = array<i64: 1, 1, 2048>}, {transform_indices = @transform_2, window_bounds = array<i64: 1, 1, 2048>}, {pipeline_mode = #tpu.pipeline_mode<synchronous>, transform_indices = @transform_3, window_bounds = array<i64: 96, 16>}, {pipeline_mode = #tpu.pipeline_mode<synchronous>, transform_indices = @transform_4, window_bounds = array<i64: 16, 64>}, {pipeline_mode = #tpu.pipeline_mode<synchronous>, transform_indices = @transform_5, window_bounds = array<i64: 1, 64>}, {pipeline_mode = #tpu.pipeline_mode<synchronous>, transform_indices = @transform_6, window_bounds = array<i64: 1, 64>}, {pipeline_mode = #tpu.pipeline_mode<synchronous>, transform_indices = @transform_7, window_bounds = array<i64: 1, 64>}, {pipeline_mode = #tpu.pipeline_mode<synchronous>, transform_indices = @transform_8, window_bounds = array<i64: 1, 1>}, {pipeline_mode = #tpu.pipeline_mode<synchronous>, transform_indices = @transform_9, window_bounds = array<i64: 1, 64>}, {pipeline_mode = #tpu.pipeline_mode<synchronous>, transform_indices = @transform_10, window_bounds = array<i64: 1, 64>}, {transform_indices = @transform_11, window_bounds = array<i64: 2048, 64>}]} {
    %get3A = arith.constant 0 : index
    %get3A_0 = arith.constant 0 : index
    %get3A_1 = arith.constant 0 : index
    %get3A_2 = vector.load %arg1[%get3A, %get3A_0, %get3A_1] : memref<1x1x2048xi32, #tpu.memory_space<vmem>>, vector<1x1x2048xi32>
    %get3A_3 = vector.shape_cast %get3A_2 : vector<1x1x2048xi32> to vector<1x2048xi32>
    %iota3A = tpu.iota {dimensions = array<i32: 0>} : vector<96x2048xi32>
    %eq3A = vector.broadcast %get3A_3 : vector<1x2048xi32> to vector<96x2048xi32>
    %eq3A_4 = arith.cmpi eq, %iota3A, %eq3A : vector<96x2048xi32>
    %convert_element_type3A = arith.extui %eq3A_4 : vector<96x2048xi1> to vector<96x2048xi32>
    %convert_element_type3A_5 = arith.sitofp %convert_element_type3A : vector<96x2048xi32> to vector<96x2048xf32>
    %get3A_6 = arith.constant 0 : index
    %get3A_7 = arith.constant 0 : index
    %get3A_8 = vector.load %arg4[%get3A_6, %get3A_7] : memref<96x16xf32, #tpu.memory_space<vmem>>, vector<96x16xf32>
    %get3A_9 = arith.constant 0 : index
    %get3A_10 = arith.constant 0 : index
    %get3A_11 = vector.load %arg5[%get3A_9, %get3A_10] : memref<16x64xf32, #tpu.memory_space<vmem>>, vector<16x64xf32>
    %dot_general3A = arith.constant dense<0.000000e+00> : vector<96x64xf32>
    %dot_general3A_12 = tpu.matmul %get3A_8, %get3A_11, %dot_general3A {dimension_numbers = #tpu.dot_dimension_numbers<[1], [0], [0], [1], [0, 0, 1, 1], [], []>, transpose_lhs_hint = false} : vector<96x16xf32>, vector<16x64xf32>, vector<96x64xf32> -> vector<96x64xf32>
    %get3A_13 = arith.constant 0 : index
    %get3A_14 = arith.constant 0 : index
    %get3A_15 = arith.constant 0 : index
    %get3A_16 = vector.load %arg2[%get3A_13, %get3A_14, %get3A_15] : memref<1x1x2048xf32, #tpu.memory_space<vmem>>, vector<1x1x2048xf32>
    %get3A_17 = vector.shape_cast %get3A_16 : vector<1x1x2048xf32> to vector<1x2048xf32>
    %get3A_18 = arith.constant 0 : index
    %get3A_19 = arith.constant 0 : index
    %get3A_20 = arith.constant 0 : index
    %get3A_21 = vector.load %arg3[%get3A_18, %get3A_19, %get3A_20] : memref<1x1x2048xf32, #tpu.memory_space<vmem>>, vector<1x1x2048xf32>
    %get3A_22 = vector.shape_cast %get3A_21 : vector<1x1x2048xf32> to vector<1x2048xf32>
    %concatenate3A = tpu.concatenate %convert_element_type3A_5, %get3A_17, %get3A_22 in 0 : vector<96x2048xf32>, vector<1x2048xf32>, vector<1x2048xf32> -> vector<98x2048xf32>
    %get3A_23 = arith.constant 0 : index
    %get3A_24 = arith.constant 0 : index
    %get3A_25 = vector.load %arg6[%get3A_23, %get3A_24] : memref<1x64xf32, #tpu.memory_space<vmem>>, vector<1x64xf32>
    %get3A_26 = arith.constant 0 : index
    %get3A_27 = arith.constant 0 : index
    %get3A_28 = vector.load %arg7[%get3A_26, %get3A_27] : memref<1x64xf32, #tpu.memory_space<vmem>>, vector<1x64xf32>
    %concatenate3A_29 = tpu.concatenate %dot_general3A_12, %get3A_25, %get3A_28 in 0 : vector<96x64xf32>, vector<1x64xf32>, vector<1x64xf32> -> vector<98x64xf32>
    %dot_general3A_30 = arith.constant dense<0.000000e+00> : vector<2048x64xf32>
    %dot_general3A_31 = tpu.matmul %concatenate3A, %concatenate3A_29, %dot_general3A_30 {dimension_numbers = #tpu.dot_dimension_numbers<[0], [0], [1], [1], [0, 1, 1, 1], [], []>, transpose_lhs_hint = false} : vector<98x2048xf32>, vector<98x64xf32>, vector<2048x64xf32> -> vector<2048x64xf32>
    %get3A_32 = arith.constant 0 : index
    %get3A_33 = arith.constant 0 : index
    %get3A_34 = vector.load %arg8[%get3A_32, %get3A_33] : memref<1x64xf32, #tpu.memory_space<vmem>>, vector<1x64xf32>
    %add3A = vector.broadcast %get3A_34 : vector<1x64xf32> to vector<2048x64xf32>
    %add3A_35 = arith.addf %dot_general3A_31, %add3A : vector<2048x64xf32>
    %get3A_36 = arith.constant 0 : index
    %get3A_37 = arith.constant 0 : index
    %get3A_38 = vector.load %arg9[%get3A_36, %get3A_37] : memref<1x1xf32, #tpu.memory_space<vmem>>, vector<1x1xf32>
    %get3A_39 = vector.extract %get3A_38[0, 0] : f32 from vector<1x1xf32>
    %gt3A = arith.constant 0.000000e+00 : f32
    %gt3A_40 = vector.broadcast %gt3A : f32 to vector<2048x64xf32>
    %gt3A_41 = arith.cmpf ogt, %add3A_35, %gt3A_40 : vector<2048x64xf32>
    %mul3A = vector.broadcast %get3A_39 : f32 to vector<2048x64xf32>
    %mul3A_42 = arith.mulf %mul3A, %add3A_35 : vector<2048x64xf32>
    %select_n3A = arith.select %gt3A_41, %add3A_35, %mul3A_42 : vector<2048x64xi1>, vector<2048x64xf32>
    %reduce_sum3A = arith.constant dense<0.000000e+00> : vector<2048xf32>
    %reduce_sum3A_43 = vector.multi_reduction <add>, %select_n3A, %reduce_sum3A [1] : vector<2048x64xf32> to vector<2048xf32>
    %broadcast_in_dim3A = vector.shape_cast %reduce_sum3A_43 : vector<2048xf32> to vector<2048x1xf32>
    %div3A = arith.constant 6.400000e+01 : f32
    %div3A_44 = vector.broadcast %div3A : f32 to vector<2048x1xf32>
    %div3A_45 = arith.divf %broadcast_in_dim3A, %div3A_44 : vector<2048x1xf32>
    %mul3A_46 = arith.mulf %select_n3A, %select_n3A : vector<2048x64xf32>
    %reduce_sum3A_47 = arith.constant dense<0.000000e+00> : vector<2048xf32>
    %reduce_sum3A_48 = vector.multi_reduction <add>, %mul3A_46, %reduce_sum3A_47 [1] : vector<2048x64xf32> to vector<2048xf32>
    %broadcast_in_dim3A_49 = vector.shape_cast %reduce_sum3A_48 : vector<2048xf32> to vector<2048x1xf32>
    %div3A_50 = arith.constant 6.400000e+01 : f32
    %div3A_51 = vector.broadcast %div3A_50 : f32 to vector<2048x1xf32>
    %div3A_52 = arith.divf %broadcast_in_dim3A_49, %div3A_51 : vector<2048x1xf32>
    %mul3A_53 = arith.mulf %div3A_45, %div3A_45 : vector<2048x1xf32>
    %sub3A = arith.subf %div3A_52, %mul3A_53 : vector<2048x1xf32>
    %add3A_54 = arith.constant 9.99999974E-6 : f32
    %add3A_55 = vector.broadcast %add3A_54 : f32 to vector<2048x1xf32>
    %add3A_56 = arith.addf %sub3A, %add3A_55 : vector<2048x1xf32>
    %rsqrt3A = math.rsqrt %add3A_56 : vector<2048x1xf32>
    %sub3A_57 = vector.broadcast %div3A_45 : vector<2048x1xf32> to vector<2048x64xf32>
    %sub3A_58 = arith.subf %select_n3A, %sub3A_57 : vector<2048x64xf32>
    %get3A_59 = arith.constant 0 : index
    %get3A_60 = arith.constant 0 : index
    %get3A_61 = vector.load %arg10[%get3A_59, %get3A_60] : memref<1x64xf32, #tpu.memory_space<vmem>>, vector<1x64xf32>
    %mul3A_62 = vector.broadcast %rsqrt3A : vector<2048x1xf32> to vector<2048x64xf32>
    %mul3A_63 = vector.broadcast %get3A_61 : vector<1x64xf32> to vector<2048x64xf32>
    %mul3A_64 = arith.mulf %mul3A_62, %mul3A_63 : vector<2048x64xf32>
    %mul3A_65 = arith.mulf %sub3A_58, %mul3A_64 : vector<2048x64xf32>
    %get3A_66 = arith.constant 0 : index
    %get3A_67 = arith.constant 0 : index
    %get3A_68 = vector.load %arg11[%get3A_66, %get3A_67] : memref<1x64xf32, #tpu.memory_space<vmem>>, vector<1x64xf32>
    %add3A_69 = vector.broadcast %get3A_68 : vector<1x64xf32> to vector<2048x64xf32>
    %add3A_70 = arith.addf %mul3A_65, %add3A_69 : vector<2048x64xf32>
    %swap3A = arith.constant 0 : index
    %swap3A_71 = arith.constant 0 : index
    %swap3A_72 = vector.load %arg12[%swap3A, %swap3A_71] : memref<2048x64xf32, #tpu.memory_space<vmem>>, vector<2048x64xf32>
    tpu.vector_store %arg12[%swap3A, %swap3A_71], %add3A_70 {strides = array<i32>} : memref<2048x64xf32, #tpu.memory_space<vmem>>, vector<2048x64xf32>,
    return
  }
  func.func @transform_0(%arg0: i32) -> (i32, i32, i32) {
    %c0_i32 = arith.constant 0 : i32
    %c0_i32_0 = arith.constant 0 : i32
    %c0_i32_1 = arith.constant 0 : i32
    return %arg0, %c0_i32, %c0_i32_0 : i32, i32, i32
  }
  func.func @transform_1(%arg0: i32) -> (i32, i32, i32) {
    %c0_i32 = arith.constant 0 : i32
    %c0_i32_0 = arith.constant 0 : i32
    %c0_i32_1 = arith.constant 0 : i32
    return %arg0, %c0_i32, %c0_i32_0 : i32, i32, i32
  }
  func.func @transform_2(%arg0: i32) -> (i32, i32, i32) {
    %c0_i32 = arith.constant 0 : i32
    %c0_i32_0 = arith.constant 0 : i32
    %c0_i32_1 = arith.constant 0 : i32
    return %arg0, %c0_i32, %c0_i32_0 : i32, i32, i32
  }
  func.func @transform_3(%arg0: i32) -> (i32, i32) {
    %c0_i32 = arith.constant 0 : i32
    %c0_i32_0 = arith.constant 0 : i32
    %c0_i32_1 = arith.constant 0 : i32
    return %c0_i32, %c0_i32_0 : i32, i32
  }
  func.func @transform_4(%arg0: i32) -> (i32, i32) {
    %c0_i32 = arith.constant 0 : i32
    %c0_i32_0 = arith.constant 0 : i32
    %c0_i32_1 = arith.constant 0 : i32
    return %c0_i32, %c0_i32_0 : i32, i32
  }
  func.func @transform_5(%arg0: i32) -> (i32, i32) {
    %c0_i32 = arith.constant 0 : i32
    %c0_i32_0 = arith.constant 0 : i32
    %c0_i32_1 = arith.constant 0 : i32
    return %c0_i32, %c0_i32_0 : i32, i32
  }
  func.func @transform_6(%arg0: i32) -> (i32, i32) {
    %c0_i32 = arith.constant 0 : i32
    %c0_i32_0 = arith.constant 0 : i32
    %c0_i32_1 = arith.constant 0 : i32
    return %c0_i32, %c0_i32_0 : i32, i32
  }
  func.func @transform_7(%arg0: i32) -> (i32, i32) {
    %c0_i32 = arith.constant 0 : i32
    %c0_i32_0 = arith.constant 0 : i32
    %c0_i32_1 = arith.constant 0 : i32
    return %c0_i32, %c0_i32_0 : i32, i32
  }
  func.func @transform_8(%arg0: i32) -> (i32, i32) {
    %c0_i32 = arith.constant 0 : i32
    %c0_i32_0 = arith.constant 0 : i32
    %c0_i32_1 = arith.constant 0 : i32
    return %c0_i32, %c0_i32_0 : i32, i32
  }
  func.func @transform_9(%arg0: i32) -> (i32, i32) {
    %c0_i32 = arith.constant 0 : i32
    %c0_i32_0 = arith.constant 0 : i32
    %c0_i32_1 = arith.constant 0 : i32
    return %c0_i32, %c0_i32_0 : i32, i32
  }
  func.func @transform_10(%arg0: i32) -> (i32, i32) {
    %c0_i32 = arith.constant 0 : i32
    %c0_i32_0 = arith.constant 0 : i32
    %c0_i32_1 = arith.constant 0 : i32
    return %c0_i32, %c0_i32_0 : i32, i32
  }
  func.func @transform_11(%arg0: i32) -> (i32, i32) {
    %c0_i32 = arith.constant 0 : i32
    %c0_i32_0 = arith.constant 0 : i32
    return %arg0, %c0_i32 : i32, i32
  }
}

</mosaic_0001>

<sc_bundles>
// kernel: sparse-core-data-format-call.cloned.1.call-start
scs
called_computation_lowered:
.L_overlay_start_0:
0x0: {  	s2 =	sld [smem:$0x3FD9]  }
0x1: {  	s3 =	sld [smem:$0x3FFE];
	_ =	sdelay $0x1  }
0x2: {  	s1 =	srdreg.scid  }
0x3: {  	s0 =	sand.u32 $0x1, s1  }
0x4: {  	s18 =	sshll.u32 s0, $0xA;
	s2 =	sadd.s32 s3, s2  }
0x5: {  	s2 =	sadd.s32 s2, s18  }
0x6: {  	[smem:$0x3FBB] =	sst s2  }
0x7: {  	_ = 	snop  }
0x8: {  	s2 =	sld [smem:$0x3FD0];
	(tm) =	ssettm $0x1  }
0x9: {  	s19 =	sld [smem:$0x3FFB];
	_ =	sdelay $0x3  }
0xa: {  	_ =	strace s19  }
0xb: {  	s3 =	sld [smem:$0x3FFC];
	_ =	sdelay $0x3  }
0xc: {  	_ =	strace s3  }
0xd: {  	s3 =	sld [smem:$0x3FFD];
	_ =	sdelay $0x3  }
0xe: {  	_ =	strace s3  }
0xf: {  	_ =	strace $0x8FFFFFFF  }
0x10: {  	s20 =	sld [smem:$0x3FDB];
	_ =	sdelay $0x1  }
0x11: {  	s4 =	simm.s32 $_scs_section_size  }
0x12: {  	s5 =	simm.s32 $_size__tile_overlayer_lowered;
	s6 =	simm.s32 $_tile_overlayer_lowered  }
0x13: {  	s23 =	simm.s32 $0x1BFF;
	s22 =	sshll.u32 s6, $0x1;
	s3 =	sadd.s32 s4, s20  }
0x14: {  	s7 =	simm.s32 $0x0;
	s21 =	sshll.u32 s5, $0x1;
	s5 =	sadd.s32 s22, s3  }
0x15: {  	[timem:s7], [sflag:s23] =	dma.local [hbm:s5], s21  }
0x16: {  	_ =	swait.ge [sflag:s23], s21  }
0x17: {  	s4 =	ssub.s32 $0x0, s21;
	[sflag:s23] =	ssyncset.done $0x0  }
0x18: {  	[sflag:s23] =	ssyncadd.s32 s4;
	_ =	sdelay $0x1  }
0x19: {  	s24 =	simm.s32 $0x1B8B  }
0x1a: {  	_ =	swait.ge [sflag:s24], $0x1  }
0x1b: {  	[sflag:s24] =	ssyncset.done $0x0  }
0x1c: {  	s26 =	simm.s32 $0x1B8E;
	s25 =	sld [smem:$0x3FFE];
	[sflag:s24] =	ssyncadd.s32 $0xFFFFFFFF  }
0x1d: {  	s27 =	simm.s32 $execute0_lowered;
	[smem:$0x3FD2] =	sst s26  }
0x1e: {  	s5 =	sshll.u32 s27, $0x1;
	_ =	strace $0x80000046;
	[dreg:$0x1] =	wrdreg $0xFFFFFFFF  }
0x1f: {  	s28 =	simm.s32 $_size_execute0_lowered;
	s3 =	sadd.s32 s3, s5;
	[dreg:$0x0] =	wrdreg $0x0  }
0x20: {  	s5 =	sshll.u32 s28, $0x1;
	[dreg:$0x2] =	wrdreg s3  }
0x21: {  	[dreg:$0x3] =	wrdreg s5  }
0x22: {  	[dreg:$0x4] =	wrdreg $0xC0  }
0x23: {  	_ =	task [dreg:s7], $0x5FFFF  }
0x24: {  	[dreg:$0x1] =	wrdreg $0xFFFFFFFF  }
0x25: {  	[dreg:$0x0] =	wrdreg $0x60  }
0x26: {  	[dreg:$0x2] =	wrdreg s25  }
0x27: {  	[dreg:$0x3] =	wrdreg s2  }
0x28: {  	[dreg:$0x4] =	wrdreg $0x9  }
0x29: {  	_ =	task.clear_ibuf [dreg:s7], $0x5FFFF;
	_ =	strace $0x90000046  }
0x2a: {  	s29 =	simm.s32 $0x9;
	_ =	strace $0x80000048  }
0x2b: {  	_ =	swait.ge [sflag:s29], $0x1  }
0x2c: {  	[sflag:s29] =	ssyncadd.s32 $0xFFFFFFFF  }
0x2d: {  	_ =	strace $0x90000048  }
0x2e: {  	_ =	sfence  }
0x2f: {  	s30 =	sld [smem:$0x0];
	_ =	sdelay $0x2  }
0x30: {  	s31 =	sshll.u32 s1, $0xD;
	s1 =	sshrl.u32 s1, $0x2  }
0x31: {  	s3 =	sand.u32 $0x4000, s31;
	s1 =	sadd.s32 s1, s30  }
0x32: {  	s0 =	sor.u32 s3, s0;
	s1 =	sshll.u32 s1, $0x11  }
0x33: {  	s0 =	sor.u32 s1, s0  }
0x34: {  	s0 =	sadd.s32 $0x8F2B, s0  }
0x35: {  	[sflag:s0] =	ssyncadd.remote.s32 $0x1  }
0x36: {  	_ =	sfence.sel $0xFFFF  }
0x37: {  	[dreg:$0x0] =	wrdreg $0xFFFFFFFF;
	(pc) =	sbr.abs _section_cstart, $3  }
0x38: {  	[dreg:$0x1] =	wrdreg $0xFFFFFFFF  }
0x39: {  	_ =	task.clear_ibuf [dreg:s7], $0x2FFFF;
	_ =	strace $0x9FFFFFFF  }
0x3a: {  	(tm) =	ssettm $0x7FFFFFFF  }
0x3b: {  	_ =	shalt  }
tec
execute0_lowered:
.L_overlay_start_1:
0x0: {  	(tag) =	ssettag $0x1  }
0x1: {  	s0 =	srdreg.scid  }
0x2: {  	s1 =	sshll.u32 s0, $0x4  }
0x3: {  	s0 =	stileid.u32;
	s1 =	sand.u32 $0x10, s1  }
0x4: {  	s1 =	sor.u32 s0, s1  }
0x5: {  	s6 =	rddreg [dreg:$0x0];
	s4 =	simm.s32 $0x1;
	s2 =	sshll.u32 s1, $0x7  }
0x6: {  	s7 =	simm.s32 $0x2;
	s12 =	simm.s32 $0x0;
	s1 =	ssub.s32 $0x1000, s2  }
0x7: {  	s8 =	simm.s32 $0x8000;
	s13 =	simm.s32 $0x0;
	s3 =	sand.u32 $0xF80, s1  }
0x8: {  	s9 =	simm.s32 $0x0;
	s5 =	sshrl.u32 s1, $0xC;
	p0 =	sne.s32 s3, $0x0  }
.Ltmp0:
0x9: {  	s1 =	rddreg [dreg:$0x2];
	s4 =	simm.s32 @!p0 $0x0;
	(pc) =	sbr.rel .LBB1_1-.Ltmp0, $4  }
0xa: {  	s11 =	simm.s32 $0x0;
	s3 =	rddreg [dreg:$0x1];
	s5 =	sadd.s32 s4, s5  }
0xb: {  	_ =	strace $0x80000047;
	s4 =	simm.s32 $0x1;
	s5 =	smul.u32 $0xC8, s5  }
0xc: {  	s6 =	sadd.s32 $0x1200, s6;
	s10 =	smov.u32 s2;
	[sflag:s4] =	ssyncpa.u1 $0x0  }
0xd: {  	p0 =	por $0x0, $0x0;
	[sflag:s7] =	ssyncpa.u1 $0x0;
	s7 =	sor.u32 $0x1, s5  }
.LBB1_4:
0xe: {  	s16 =	sshll.u32 s13, $0x3;
	s17 =	sand.u32 $0x78, s13  }
0xf: {  	s30 =	sand.u32 $0x7E00, s13;
	s12 =	sshll.u32 s12, $0xF;
	s16 =	sand.u32 $0xC00, s16  }
0x10: {  	[tilespmem:s15+$0x810 ss:$0x81] =	vst.msk $0xffff, v2;
	s31 =	sand.u32 $0x7, s13;
	s16 =	sor.u32 s17, s16;
	s17 =	sadd.s32 s3, s30  }
0x11: {  	[tilespmem:s15+$0x1020 ss:$0x81] =	vst.msk $0xffff, v0;
	s13 =	sshll.u32 s31, $0x12;
	s12 =	sadd.s32 s12, s17;
	s16 =	sshrl.u32 s16, $0x3  }
0x12: {  	[tilespmem:s15+$0x0 ss:$0x81] =	vst.msk $0xffff, v1;
	s13 =	sor.u32 $0x400, s13;
	s12 =	sadd.s32 s16, s12  }
0x13: {  	[hbm4b:s12+s13] =	stream.strided.scatter [tilespmem:s14], [sflag:$0x2], $0x2000, s8, s13, $0x20;
	[tilespmem:$0x8080] =	vst v63  }
.LBB1_5:
0x14: {  	s14 =	sadd.s32 $0x1, s9  }
0x15: {  	s12 =	sadd.s32 $0x1000, s10;
	s16 =	smov.u32 s10;
	p2 =	sgt.s32 s14, $0xC7  }
0x16: {  	s16 =	smov.u32 @p2 s12  }
0x17: {  	s14 =	simm.s32 @p2 $0x0;
	p2 =	sgt.s32 s16, $0xFFF  }
0x18: {  	s16 =	smov.u32 @p2 s2;
	p2 =	sne.s32 s11, s7  }
.Ltmp1:
0x19: {  	p1 =	slt.u32 s11, $0x2;
	(pc) =	sbr.rel @!p2 .LBB1_6-.Ltmp1, $4  }
0x1a: {  	s15 =	simm.s32 @!p1 $0x2  }
0x1b: {  	s13 =	smov.u32 s10;
	p0 =	por !p0, !p0;
	_ =	swait.ge @!p1 [sflag:s15], $0x2000  }
0x1c: {  	s12 =	smov.u32 s9;
	[sflag:s15] =	ssyncset.done @!p1 $0x0;
	s9 =	smov.u32 s14  }
0x1d: {  	s11 =	sadd.s32 $0x1, s11;
	[sflag:s15] =	ssyncadd.s32 @!p1 $0xFFFFE000;
	s10 =	smov.u32 s16  }
.LBB1_1:
0x1e: {  	p1 =	sge.u32 s11, s5  }
0x1f: {  	s14 =	sand.u32 @!p1 $0x1FFFFFF, s9  }
0x20: {  	s15 =	smulhi.u32 @!p1 $0x147AE15, s14;
	_ =	sdelay $0x1  }
0x21: {  	s15 =	smul.u32 @!p1 $0xC8, s15  }
0x22: {  	s16 =	sxor.u32 @!p1 $0xFFFFFFFF, s11;
	s17 =	smul.u32 @!p1 $0xC80, s10  }
0x23: {  	s31 =	sadd.s32 $0xFFFFFFFF, s11;
	s16 =	sshll.u32 @!p1 s16, $0xD;
	s14 =	ssub.s32 @!p1 s14, s15  }
0x24: {  	s15 =	sand.u32 @!p1 $0x2000, s16;
	s16 =	sadd.s32 @!p1 s6, s17;
	s14 =	sshll.u32 @!p1 s14, $0x4  }
0x25: {  	s17 =	simm.s32 @!p1 $0x6400;
	s14 =	sadd.s32 @!p1 s14, s16;
	s16 =	simm.s32 @!p1 $0x40  }
0x26: {  	[tilespmem:s15], [sflag:$0x1] =	stream.strided.gather @!p1 [hbm4b:s14+s16], $0x2000, s17, s16, $0x38;
	[tilespmem:$0x8080] =	vst v63  }
0x27: {  	p1 =	sge.u32 s31, s5  }
.Ltmp2:
0x28: {  	_ = 	snop;
	(pc) =	sbr.rel @p1 .LBB1_5-.Ltmp2, $1  }
0x29: {  	_ =	sdelay $0x3  }
0x2a: {  	s14 =	simm.s32 $0x1  }
0x2b: {  	_ =	swait.ge [sflag:s4], $0x2000;
	s14 =	simm.s32 @!p0 $0x0  }
0x2c: {  	[sflag:s4] =	ssyncset.done $0x0;
	s15 =	sshll.u32 s14, $0xD  }
0x2d: {  	[sflag:s4] =	ssyncadd.s32 $0xFFFFE000;
	s18 =	sor.u32 $0x20, s15  }
0x2e: {  	s14 =	smul.u32 $0x8100, s14;
	v3 =	vld [tilespmem:s18+$0x10]  }
0x2f: {  	s30 =	sand.u32 $0x1, s11;
	v2 =	vld [tilespmem:s18+$0xFFFFFFF0]  }
0x30: {  	s15 =	smul.u32 $0x8100, s30;
	s14 =	sshrl.u32 s14, $0x2;
	v0 =	vld [tilespmem:s18+$0x0]  }
0x31: {  	v1 =	vld [tilespmem:s18+$0xFFFFFFE0];
	s16 =	sor.u32 $0x4000, s14  }
0x32: {  	s31 =	sshrl.u32 s15, $0x2;
	s15 =	sadd.s32 $0x0, s16  }
0x33: {  	s17 =	simm.s32 $0x4;
	s18 =	sadd.s32 $0x40, s18;
	s14 =	sor.u32 $0x4000, s31;
	[tilespmem:s15+$0x1830 ss:$0x81] =	vst.msk $0xffff, v3  }
.LBB1_3:
0x34: {  	v3 =	vld [tilespmem:s18+$0x10];
	p1 =	sne.s32 s17, $0x1FC;
	[tilespmem:s15+$0x810 ss:$0x81] =	vst.msk $0xffff, v2;
	s19 =	smov.u32 s17;
	s17 =	sadd.s32 $0x4, s17  }
.Ltmp3:
0x35: {  	v2 =	vld [tilespmem:s18+$0xFFFFFFF0];
	[tilespmem:s15+$0x1020 ss:$0x81] =	vst.msk $0xffff, v0;
	(pc) =	sbr.rel @p1 .LBB1_3-.Ltmp3, $4  }
0x36: {  	v0 =	vld [tilespmem:s18+$0x0];
	[tilespmem:s15+$0x0 ss:$0x81] =	vst.msk $0xffff, v1  }
0x37: {  	s15 =	sshra.s32 s19, $0x2;
	v1 =	vld [tilespmem:s18+$0xFFFFFFE0]  }
0x38: {  	s15 =	sadd.s32 s15, s16  }
0x39: {  	s18 =	sadd.s32 $0x40, s18;
	[tilespmem:s15+$0x1830 ss:$0x81] =	vst.msk $0xffff, v3  }
.Ltmp4:
0x3a: {  	_ = 	snop;
	(pc) =	sbr.rel .LBB1_4-.Ltmp4, $1  }
0x3b: {  	_ =	sdelay $0x3  }
.LBB1_6:
0x3c: {  	_ =	sfence.sel $0x180000  }
0x3d: {  	s2 =	simm.s32 $0x1;
	[bflag:$0x0] =	sbarrier.arrive $0xFFFF  }
0x3e: {  	s31 =	simm.s32 $0x2;
	[sflag:s2] =	ssyncpa.u1 $0x1  }
0x3f: {  	[sflag:s31] =	ssyncpa.u1 $0x1  }
0x40: {  	p0 =	sne.s32 s0, $0x0;
	_ =	strace $0x90000047  }
0x41: {  	s0 =	sadd.s32 @!p0 $0x100000, s1;
	[bflag:$0x2] =	sbarrier.arrive $0xFFFF  }
0x42: {  	[sflag:s0] =	ssyncadd.tile.s32 @!p0 $0x1;
	_ =	shalt  }
.Lfunc_end1:
_tile_overlayer_lowered:
.L_overlay_start_2:
0x43: {  	(tag) =	ssettag $0x2  }
0x44: {  	s0 =	rddreg [dreg:$0x0];
	s2 =	stileid.u32  }
0x45: {  	s1 =	rddreg [dreg:$0x1];
	p0 =	sne.s32 s2, $0x0  }
0x46: {  	s3 =	rddreg [dreg:$0x2];
	[bflag:$0x3] =	sbarrier.arrive $0xFFFF;
	s2 =	simm.s32 @!p0 $0x1C01  }
0x47: {  	[timem:s3], [sflag:s2] =	dma.local @!p0 [hbm:s0], s1  }
0x48: {  	s0 =	simm.s32 @!p0 $0x1  }
0x49: {  	_ =	swait.ge @!p0 [sflag:s0], s1  }
0x4a: {  	s1 =	ssub.s32 @!p0 $0x0, s1;
	[sflag:s0] =	ssyncset.done @!p0 $0x0  }
0x4b: {  	[sflag:s0] =	ssyncadd.s32 @!p0 s1  }
0x4c: {  	[bflag:$0x3] =	sbarrier.arrive $0xFFFF  }
0x4d: {  	_ =	shalt  }

</sc_bundles>
